<compile_context>
chip_gen: v7x
topology: tpu7x:2x2x1
jax: 0.10.2.dev20260603
libtpu: 0.0.44.dev20260713+nightly
codegen_flags: <defaults>
</compile_context>

<pallas_src>
import functools

import jax
import jax.numpy as jnp
from jax import lax
from jax.experimental import pallas as pl
from jax.experimental.pallas import tpu as pltpu
from jax.experimental.pallas import tpu_sc as plsc



def _argmin_body(n_table, tn, nsteps, codesm2_ref, tab_ref, t2_ref, q2_ref,
                 idx_ref, runmin_ref, runstep_ref):
    step = pl.program_id(0)

    b = runmin_ref.shape[0]

    @pl.when(step == 0)
    def _init():
        runmin_ref[...] = jnp.full((b, tn), jnp.inf, jnp.float32)
        runstep_ref[...] = jnp.zeros((b, tn), jnp.int16)

    d = lax.dot_general(codesm2_ref[...], tab_ref[...],
                        (((1,), (1,)), ((), ())),
                        preferred_element_type=jnp.float32)
    dist = (d + q2_ref[...][:, None]) + t2_ref[0]
    better = dist < runmin_ref[...]
    runstep_ref[...] = jnp.where(better, step.astype(jnp.int16), runstep_ref[...])
    runmin_ref[...] = jnp.minimum(dist, runmin_ref[...])

    @pl.when(step == nsteps - 1)
    def _final():
        merged = runmin_ref[...]
        winstep = runstep_ref[...]
        lane = lax.broadcasted_iota(jnp.int32, merged.shape, 1)
        rowmin = jnp.min(merged, axis=1)
        gidx = winstep.astype(jnp.int32) * tn + lane
        cand = jnp.where(merged == rowmin[:, None], gidx, jnp.int32(2**30))
        idx_ref[...] = jnp.min(cand, axis=1)


def _nearest_idx(codes_m2, codes_table, t2, q2):
    b, cl = codes_m2.shape
    n = codes_table.shape[0]
    tn = 2000
    steps = n // tn
    return pl.pallas_call(
        functools.partial(_argmin_body, n, tn, steps),
        grid=(steps,),
        in_specs=[
            pl.BlockSpec((b, cl), lambda i: (0, 0)),
            pl.BlockSpec((tn, cl), lambda i: (i, 0)),
            pl.BlockSpec((1, 1, tn), lambda i: (i, 0, 0)),
            pl.BlockSpec((b,), lambda i: (0,)),
        ],
        out_specs=pl.BlockSpec((b,), lambda i: (0,)),
        out_shape=jax.ShapeDtypeStruct((b,), jnp.int32),
        scratch_shapes=[pltpu.VMEM((b, tn), jnp.float32),
                        pltpu.VMEM((b, tn), jnp.int16)],
    )(codes_m2, codes_table, t2.reshape(steps, 1, tn), q2)



def _sc_gather(codes_table, idx):
    b = idx.shape[0]
    d = codes_table.shape[1]
    info = plsc.get_sparse_core_info()
    nc, ns = info.num_cores, info.num_subcores
    nw = nc * ns
    b_per_w = b // nw
    mesh = plsc.VectorSubcoreMesh(core_axis_name="c", subcore_axis_name="s")

    @functools.partial(
        pl.kernel, mesh=mesh,
        out_type=jax.ShapeDtypeStruct((b, d), jnp.float32),
        scratch_types=[
            pltpu.VMEM((b_per_w,), jnp.int32),
            pltpu.VMEM((b_per_w, d), jnp.float32),
            pltpu.SemaphoreType.DMA,
        ],
    )
    def gather_kernel(table_hbm, idx_hbm, out_hbm, idx_v, rows_v, sem):
        wid = lax.axis_index("s") * nc + lax.axis_index("c")
        base = wid * b_per_w
        pltpu.sync_copy(idx_hbm.at[pl.ds(base, b_per_w)], idx_v)
        pltpu.async_copy(table_hbm.at[idx_v], rows_v, sem).wait()
        pltpu.sync_copy(rows_v, out_hbm.at[pl.ds(base, b_per_w)])

    return gather_kernel(codes_table, idx)



def _mlp_body(pc_ref, ilW, ilb, h1W, h1b, s2W, s2b, s3W, s3b, h2W, h2b,
              o1W, o1b, o2W, o2b, h3W, h3b, muW, mub, sW, sb,
              mu_ref, ls_ref):
    def dot(a, w):
        return lax.dot_general(a, w[...], (((1,), (0,)), ((), ())),
                               preferred_element_type=jnp.float32)

    x = pc_ref[...]
    i = jnp.tanh(dot(x, ilW) + ilb[...])
    _h1 = jnp.tanh(dot(i, h1W) + h1b[...])
    _s2 = jnp.tanh(dot(_h1, s2W) + s2b[...])
    _s3 = jnp.tanh(dot(_h1, s3W) + s3b[...])
    _h2 = jnp.tanh(dot(_h1 + _s2, h2W) + h2b[...])
    _o1 = jnp.tanh(dot(_h1, o1W) + o1b[...])
    _o2 = jnp.tanh(dot(_h2, o2W) + o2b[...])
    _o3 = jnp.tanh(dot(_h2 + _s3, h3W) + h3b[...])
    out = _o1 + _o2 + _o3
    mu_ref[...] = dot(out, muW) + mub[...]
    ls_ref[...] = dot(out, sW) + sb[...]


def _mlp(prev_code, params):
    b, cl = prev_code.shape
    bm = 1024
    w_spec = lambda fi, fo: pl.BlockSpec((fi, fo), lambda i: (0, 0))
    b_spec = lambda fo: pl.BlockSpec((fo,), lambda i: (0,))
    in_specs = [pl.BlockSpec((bm, cl), lambda i: (i, 0))]
    for p in params:
        if p.ndim == 2:
            in_specs.append(w_spec(*p.shape))
        else:
            in_specs.append(b_spec(p.shape[0]))
    return pl.pallas_call(
        _mlp_body,
        grid=(b // bm,),
        in_specs=in_specs,
        out_specs=[pl.BlockSpec((bm, cl), lambda i: (i, 0)),
                   pl.BlockSpec((bm, cl), lambda i: (i, 0))],
        out_shape=[jax.ShapeDtypeStruct((b, cl), jnp.float32),
                   jax.ShapeDtypeStruct((b, cl), jnp.float32)],
    )(prev_code, *params)



def kernel(codes, codes_table, input_layer_W, input_layer_b, skipin_to_2_W,
           skipin_to_2_b, skipin_to_3_W, skipin_to_3_b, skip1_to_out_W,
           skip1_to_out_b, skip2_to_out_W, skip2_to_out_b, h1_W, h1_b, h2_W,
           h2_b, h3_W, h3_b, fc_mu_W, fc_mu_b, fc_s_W, fc_s_b):
    q2 = jnp.sum(jnp.square(codes), axis=1)
    t2 = jnp.sum(jnp.square(codes_table), axis=1)
    idx = _nearest_idx(-2.0 * codes, codes_table, t2, q2)
    prev_code = _sc_gather(codes_table, idx)
    params = (input_layer_W, input_layer_b, h1_W, h1_b, skipin_to_2_W,
              skipin_to_2_b, skipin_to_3_W, skipin_to_3_b, h2_W, h2_b,
              skip1_to_out_W, skip1_to_out_b, skip2_to_out_W, skip2_to_out_b,
              h3_W, h3_b, fc_mu_W, fc_mu_b, fc_s_W, fc_s_b)
    mu, logstd = _mlp(prev_code, params)
    return (mu, logstd)

# --- scband reference (transcript-rebuilt; emitter-appended) ---
"""Pipeline reference for scband-prior-network-25056839205622 (READ-ONLY COPY).

The authoritative reference and input builder live on the scoring server;
editing this copy changes nothing except your own understanding.
"""

import jax, jax.numpy as jnp
import numpy as np

CODE_LENGTH = 128
N_HIDDEN = 512
SIZE_TRAINING_SET = 100000
K = 5
BATCH = 1024


def _linear_params(key, fan_in, fan_out):
    kw, kb = jax.random.split(key)
    lim = 1.0 / np.sqrt(fan_in)
    W = jax.random.uniform(kw, (fan_in, fan_out), minval=-lim, maxval=lim, dtype=jnp.float32)
    b = jax.random.uniform(kb, (fan_out,), minval=-lim, maxval=lim, dtype=jnp.float32)
    return W, b


def setup_inputs(seed: int = 0):
    key = jax.random.key(seed)
    ks = jax.random.split(key, 12)
    inp = {}
    inp['codes'] = jax.random.normal(ks[0], (BATCH, CODE_LENGTH), dtype=jnp.float32)
    inp['codes_table'] = jax.random.normal(ks[1], (SIZE_TRAINING_SET, CODE_LENGTH), dtype=jnp.float32)
    layer_dims = [('input_layer', CODE_LENGTH, N_HIDDEN), ('skipin_to_2', N_HIDDEN, N_HIDDEN), ('skipin_to_3', N_HIDDEN, N_HIDDEN), ('skip1_to_out', N_HIDDEN, N_HIDDEN), ('skip2_to_out', N_HIDDEN, N_HIDDEN), ('h1', N_HIDDEN, N_HIDDEN), ('h2', N_HIDDEN, N_HIDDEN), ('h3', N_HIDDEN, N_HIDDEN), ('fc_mu', N_HIDDEN, CODE_LENGTH), ('fc_s', N_HIDDEN, CODE_LENGTH)]
    for i, (name, fi, fo) in enumerate(layer_dims):
        W, b = _linear_params(ks[2 + i], fi, fo)
        inp[name + '_W'] = W
        inp[name + '_b'] = b
    return inp


def reference(codes, codes_table, input_layer_W, input_layer_b, skipin_to_2_W, skipin_to_2_b, skipin_to_3_W, skipin_to_3_b, skip1_to_out_W, skip1_to_out_b, skip2_to_out_W, skip2_to_out_b, h1_W, h1_b, h2_W, h2_b, h3_W, h3_b, fc_mu_W, fc_mu_b, fc_s_W, fc_s_b):
    # kneighbors: brute-force squared-L2 distances + topk smallest (under no_grad in torch)
    codes2 = jnp.sum(jnp.square(codes_table), axis=1)[:, None]
    dists = -2.0 * (codes @ codes_table.T) + jnp.sum(jnp.square(codes), axis=1)[:, None] + codes2.T
    _, neighbor_idx = jax.lax.top_k(-dists, K)  # smallest distances, ascending
    # eval-mode neighbor pick: chosen_neighbor_index = 0 (nearest)
    prev_code = jax.lax.stop_gradient(codes_table[neighbor_idx[:, 0]])
    # encode() MLP with skip connections
    i = jnp.tanh(prev_code @ input_layer_W + input_layer_b)
    _h1 = jnp.tanh(i @ h1_W + h1_b)
    _s2 = jnp.tanh(_h1 @ skipin_to_2_W + skipin_to_2_b)
    _s3 = jnp.tanh(_h1 @ skipin_to_3_W + skipin_to_3_b)
    _h2 = jnp.tanh((_h1 + _s2) @ h2_W + h2_b)
    _o1 = jnp.tanh(_h1 @ skip1_to_out_W + skip1_to_out_b)
    _o2 = jnp.tanh(_h2 @ skip2_to_out_W + skip2_to_out_b)
    _o3 = jnp.tanh((_h2 + _s3) @ h3_W + h3_b)
    out = _o1 + _o2 + _o3
    mu = out @ fc_mu_W + fc_mu_b
    logstd = out @ fc_s_W + fc_s_b
    return (mu, logstd)

if __name__ == "__main__":
    import jax
    _d = setup_inputs()
    print(jax.jit(kernel)(*tuple(_d.values())))

</pallas_src>

<mosaic_0001>
#map = affine_map<(d0, d1) -> (0, 0)>
#map1 = affine_map<(d0, d1) -> (0)>
module attributes {stable_mosaic.version = 14 : i64} {
  func.func @gather_kernel(%arg0: i32, %arg1: i32, %arg2: memref<100000x128xf32, #tpu.memory_space<hbm>>, %arg3: memref<1024xi32, #tpu.memory_space<hbm>>, %arg4: memref<1024x128xf32, #tpu.memory_space<hbm>>, %arg5: memref<32xi32, #tpu.memory_space<vmem>>, %arg6: memref<32x128xf32, #tpu.memory_space<vmem>>, %arg7: memref<!tpu.dma_semaphore, #tpu.memory_space<semaphore_mem>>) attributes {dimension_semantics = [#tpu.dimension_semantics<core_parallel>, #tpu.dimension_semantics<subcore_parallel>], iteration_bounds = array<i64: 2, 16>, scalar_prefetch = 0 : i64, scratch_operands = 3 : i64, tpu.core_type = #tpu.core_type<sc_vector_subcore>, window_params = [{transform_indices = #map}, {transform_indices = #map1}, {transform_indices = #map}]} {
    %mul3A = arith.constant 2 : i32
    %mul3A_0 = arith.muli %arg1, %mul3A : i32
    %add3A = arith.addi %mul3A_0, %arg0 : i32
    %mul3A_1 = arith.constant 32 : i32
    %mul3A_2 = arith.muli %add3A, %mul3A_1 : i32
    "tpu.region"() ({
      %run_scoped3A = tpu.sem_alloc : memref<!tpu.dma_semaphore, #tpu.memory_space<semaphore_mem>>
      %dma_start3A_7 = tpu.memref_slice %arg3[%mul3A_2] : memref<1024xi32, #tpu.memory_space<hbm>> -> memref<32xi32, #tpu.memory_space<hbm>>
      %dma_start3A_8 = tpu.memref_slice %arg3[%mul3A_2] : memref<1024xi32, #tpu.memory_space<hbm>> -> memref<32xi32, #tpu.memory_space<hbm>>
      tpu.enqueue_dma source(%dma_start3A_8 : memref<32xi32, #tpu.memory_space<hbm>>) target(%arg5 : memref<32xi32, #tpu.memory_space<vmem>>) target_semaphore(%run_scoped3A : memref<!tpu.dma_semaphore, #tpu.memory_space<semaphore_mem>>)
      %dma_wait3A_9 = tpu.memref_slice %arg3[%mul3A_2] : memref<1024xi32, #tpu.memory_space<hbm>> -> memref<32xi32, #tpu.memory_space<hbm>>
      %dma_wait3A_10 = tpu.memref_slice %arg3[%mul3A_2] : memref<1024xi32, #tpu.memory_space<hbm>> -> memref<32xi32, #tpu.memory_space<hbm>>
      tpu.wait_dma2 semaphore(%run_scoped3A : memref<!tpu.dma_semaphore, #tpu.memory_space<semaphore_mem>>) src(%dma_wait3A_10 : memref<32xi32, #tpu.memory_space<hbm>>) dst(%arg5 : memref<32xi32, #tpu.memory_space<vmem>>)
      tpu.yield
    }) : () -> ()
    %dma_start3A = arith.constant 0 : i32
    %dma_start3A_3 = arith.constant 0 : i32
    %dma_start3A_4 = tpu.memref_slice %arg2[%dma_start3A, %dma_start3A_3] : memref<100000x128xf32, #tpu.memory_space<hbm>> -> memref<100000x128xf32, #tpu.memory_space<hbm>>
    tpu.enqueue_indirect_dma source(%dma_start3A_4 : memref<100000x128xf32, #tpu.memory_space<hbm>>) target(%arg6 : memref<32x128xf32, #tpu.memory_space<vmem>>) offsets(%arg5 : memref<32xi32, #tpu.memory_space<vmem>>) semaphore(%arg7 : memref<!tpu.dma_semaphore, #tpu.memory_space<semaphore_mem>>)
    %dma_wait3A = arith.constant 0 : i32
    %dma_wait3A_5 = arith.constant 0 : i32
    %dma_wait3A_6 = tpu.memref_slice %arg2[%dma_wait3A, %dma_wait3A_5] : memref<100000x128xf32, #tpu.memory_space<hbm>> -> memref<100000x128xf32, #tpu.memory_space<hbm>>
    tpu.wait_indirect_dma semaphore(%arg7 : memref<!tpu.dma_semaphore, #tpu.memory_space<semaphore_mem>>) src(%dma_wait3A_6 : memref<100000x128xf32, #tpu.memory_space<hbm>>) dst(%arg6 : memref<32x128xf32, #tpu.memory_space<vmem>>)
    "tpu.region"() ({
      %run_scoped3A = tpu.sem_alloc : memref<!tpu.dma_semaphore, #tpu.memory_space<semaphore_mem>>
      %dma_start3A_7 = arith.constant 0 : i32
      %dma_start3A_8 = tpu.memref_slice %arg4[%mul3A_2, %dma_start3A_7] : memref<1024x128xf32, #tpu.memory_space<hbm>> -> memref<32x128xf32, #tpu.memory_space<hbm>>
      %dma_start3A_9 = arith.constant 0 : i32
      %dma_start3A_10 = tpu.memref_slice %arg4[%mul3A_2, %dma_start3A_9] : memref<1024x128xf32, #tpu.memory_space<hbm>> -> memref<32x128xf32, #tpu.memory_space<hbm>>
      tpu.enqueue_dma source(%arg6 : memref<32x128xf32, #tpu.memory_space<vmem>>) target(%dma_start3A_10 : memref<32x128xf32, #tpu.memory_space<hbm>>) target_semaphore(%run_scoped3A : memref<!tpu.dma_semaphore, #tpu.memory_space<semaphore_mem>>)
      %dma_wait3A_11 = arith.constant 0 : i32
      %dma_wait3A_12 = tpu.memref_slice %arg4[%mul3A_2, %dma_wait3A_11] : memref<1024x128xf32, #tpu.memory_space<hbm>> -> memref<32x128xf32, #tpu.memory_space<hbm>>
      %dma_wait3A_13 = arith.constant 0 : i32
      %dma_wait3A_14 = tpu.memref_slice %arg4[%mul3A_2, %dma_wait3A_13] : memref<1024x128xf32, #tpu.memory_space<hbm>> -> memref<32x128xf32, #tpu.memory_space<hbm>>
      tpu.wait_dma2 semaphore(%run_scoped3A : memref<!tpu.dma_semaphore, #tpu.memory_space<semaphore_mem>>) src(%arg6 : memref<32x128xf32, #tpu.memory_space<vmem>>) dst(%dma_wait3A_14 : memref<32x128xf32, #tpu.memory_space<hbm>>)
      tpu.yield
    }) : () -> ()
    return
  }
}

module attributes {stable_mosaic.version = 14 : i64} {
  func.func @_argmin_body(%arg0: i32, %arg1: memref<1024x128xf32, #tpu.memory_space<vmem>>, %arg2: memref<2000x128xf32, #tpu.memory_space<vmem>>, %arg3: memref<1x1x2000xf32, #tpu.memory_space<vmem>>, %arg4: memref<1024xf32, #tpu.memory_space<vmem>>, %arg5: memref<1024xi32, #tpu.memory_space<vmem>>, %arg6: memref<1024x2000xf32, #tpu.memory_space<vmem>>, %arg7: memref<1024x2000xi16, #tpu.memory_space<vmem>>) attributes {dimension_semantics = [#tpu.dimension_semantics<arbitrary>], iteration_bounds = array<i64: 50>, scalar_prefetch = 0 : i64, scratch_operands = 2 : i64, tpu.core_type = #tpu.core_type<tc>, window_params = [{pipeline_mode = #tpu.pipeline_mode<synchronous>, transform_indices = @transform_0, window_bounds = array<i64: 1024, 128>}, {transform_indices = @transform_1, window_bounds = array<i64: 2000, 128>}, {transform_indices = @transform_2, window_bounds = array<i64: 1, 1, 2000>}, {pipeline_mode = #tpu.pipeline_mode<synchronous>, transform_indices = @transform_3, window_bounds = array<i64: 1024>}, {pipeline_mode = #tpu.pipeline_mode<synchronous>, transform_indices = @transform_4, window_bounds = array<i64: 1024>}]} {
    %eq3A = arith.constant 0 : i32
    %eq3A_0 = arith.cmpi eq, %arg0, %eq3A : i32
    %convert_element_type3A = arith.extui %eq3A_0 : i1 to i32
    %cond3A = arith.constant 0 : i32
    %cond3A_1 = arith.cmpi ne, %convert_element_type3A, %cond3A : i32
    scf.if %cond3A_1 {
      %broadcast_in_dim3A_39 = arith.constant 0x7F800000 : f32
      %broadcast_in_dim3A_40 = vector.broadcast %broadcast_in_dim3A_39 : f32 to vector<1024x2000xf32>
      %swap3A_41 = arith.constant 0 : index
      %swap3A_42 = arith.constant 0 : index
      %swap3A_43 = vector.load %arg6[%swap3A_41, %swap3A_42] : memref<1024x2000xf32, #tpu.memory_space<vmem>>, vector<1024x2000xf32>
      tpu.vector_store %arg6[%swap3A_41, %swap3A_42], %broadcast_in_dim3A_40 {strides = array<i32>} : memref<1024x2000xf32, #tpu.memory_space<vmem>>, vector<1024x2000xf32>,
      %broadcast_in_dim3A_44 = arith.constant 0 : i16
      %broadcast_in_dim3A_45 = vector.broadcast %broadcast_in_dim3A_44 : i16 to vector<1024x2000xi16>
      %swap3A_46 = arith.constant 0 : index
      %swap3A_47 = arith.constant 0 : index
      %swap3A_48 = vector.load %arg7[%swap3A_46, %swap3A_47] : memref<1024x2000xi16, #tpu.memory_space<vmem>>, vector<1024x2000xi16>
      tpu.vector_store %arg7[%swap3A_46, %swap3A_47], %broadcast_in_dim3A_45 {strides = array<i32>} : memref<1024x2000xi16, #tpu.memory_space<vmem>>, vector<1024x2000xi16>,
    } else {
    }
    %get3A = arith.constant 0 : index
    %get3A_2 = arith.constant 0 : index
    %get3A_3 = vector.load %arg1[%get3A, %get3A_2] : memref<1024x128xf32, #tpu.memory_space<vmem>>, vector<1024x128xf32>
    %get3A_4 = arith.constant 0 : index
    %get3A_5 = arith.constant 0 : index
    %get3A_6 = vector.load %arg2[%get3A_4, %get3A_5] : memref<2000x128xf32, #tpu.memory_space<vmem>>, vector<2000x128xf32>
    %dot_general3A = arith.constant dense<0.000000e+00> : vector<1024x2000xf32>
    %dot_general3A_7 = tpu.matmul %get3A_3, %get3A_6, %dot_general3A {dimension_numbers = #tpu.dot_dimension_numbers<[1], [1], [0], [0], [0, 0, 1, 0], [], []>, transpose_lhs_hint = false} : vector<1024x128xf32>, vector<2000x128xf32>, vector<1024x2000xf32> -> vector<1024x2000xf32>
    %get3A_8 = arith.constant 0 : index
    %get3A_9 = vector.load %arg4[%get3A_8] : memref<1024xf32, #tpu.memory_space<vmem>>, vector<1024xf32>
    %broadcast_in_dim3A = vector.shape_cast %get3A_9 : vector<1024xf32> to vector<1024x1xf32>
    %add3A = vector.broadcast %broadcast_in_dim3A : vector<1024x1xf32> to vector<1024x2000xf32>
    %add3A_10 = arith.addf %dot_general3A_7, %add3A : vector<1024x2000xf32>
    %get3A_11 = arith.constant 0 : index
    %get3A_12 = arith.constant 0 : index
    %get3A_13 = arith.constant 0 : index
    %get3A_14 = vector.load %arg3[%get3A_11, %get3A_12, %get3A_13] : memref<1x1x2000xf32, #tpu.memory_space<vmem>>, vector<1x1x2000xf32>
    %get3A_15 = vector.shape_cast %get3A_14 : vector<1x1x2000xf32> to vector<1x2000xf32>
    %add3A_16 = vector.broadcast %get3A_15 : vector<1x2000xf32> to vector<1024x2000xf32>
    %add3A_17 = arith.addf %add3A_10, %add3A_16 : vector<1024x2000xf32>
    %get3A_18 = arith.constant 0 : index
    %get3A_19 = arith.constant 0 : index
    %get3A_20 = vector.load %arg6[%get3A_18, %get3A_19] : memref<1024x2000xf32, #tpu.memory_space<vmem>>, vector<1024x2000xf32>
    %lt3A = arith.cmpf olt, %add3A_17, %get3A_20 : vector<1024x2000xf32>
    %convert_element_type3A_21 = arith.trunci %arg0 : i32 to i16
    %get3A_22 = arith.constant 0 : index
    %get3A_23 = arith.constant 0 : index
    %get3A_24 = vector.load %arg7[%get3A_22, %get3A_23] : memref<1024x2000xi16, #tpu.memory_space<vmem>>, vector<1024x2000xi16>
    %broadcast_in_dim3A_25 = vector.broadcast %convert_element_type3A_21 : i16 to vector<1024x2000xi16>
    %select_n3A = arith.select %lt3A, %broadcast_in_dim3A_25, %get3A_24 : vector<1024x2000xi1>, vector<1024x2000xi16>
    %swap3A = arith.constant 0 : index
    %swap3A_26 = arith.constant 0 : index
    %swap3A_27 = vector.load %arg7[%swap3A, %swap3A_26] : memref<1024x2000xi16, #tpu.memory_space<vmem>>, vector<1024x2000xi16>
    tpu.vector_store %arg7[%swap3A, %swap3A_26], %select_n3A {strides = array<i32>} : memref<1024x2000xi16, #tpu.memory_space<vmem>>, vector<1024x2000xi16>,
    %get3A_28 = arith.constant 0 : index
    %get3A_29 = arith.constant 0 : index
    %get3A_30 = vector.load %arg6[%get3A_28, %get3A_29] : memref<1024x2000xf32, #tpu.memory_space<vmem>>, vector<1024x2000xf32>
    %min3A = arith.minimumf %add3A_17, %get3A_30 : vector<1024x2000xf32>
    %swap3A_31 = arith.constant 0 : index
    %swap3A_32 = arith.constant 0 : index
    %swap3A_33 = vector.load %arg6[%swap3A_31, %swap3A_32] : memref<1024x2000xf32, #tpu.memory_space<vmem>>, vector<1024x2000xf32>
    tpu.vector_store %arg6[%swap3A_31, %swap3A_32], %min3A {strides = array<i32>} : memref<1024x2000xf32, #tpu.memory_space<vmem>>, vector<1024x2000xf32>,
    %eq3A_34 = arith.constant 49 : i32
    %eq3A_35 = arith.cmpi eq, %arg0, %eq3A_34 : i32
    %convert_element_type3A_36 = arith.extui %eq3A_35 : i1 to i32
    %cond3A_37 = arith.constant 0 : i32
    %cond3A_38 = arith.cmpi ne, %convert_element_type3A_36, %cond3A_37 : i32
    scf.if %cond3A_38 {
      %get3A_39 = arith.constant 0 : index
      %get3A_40 = arith.constant 0 : index
      %get3A_41 = vector.load %arg6[%get3A_39, %get3A_40] : memref<1024x2000xf32, #tpu.memory_space<vmem>>, vector<1024x2000xf32>
      %get3A_42 = arith.constant 0 : index
      %get3A_43 = arith.constant 0 : index
      %get3A_44 = vector.load %arg7[%get3A_42, %get3A_43] : memref<1024x2000xi16, #tpu.memory_space<vmem>>, vector<1024x2000xi16>
      %iota3A = tpu.iota {dimensions = array<i32: 1>} : vector<1024x2000xi32>
      %reduce_min3A = arith.constant dense<0x7F800000> : vector<1024xf32>
      %reduce_min3A_45 = vector.multi_reduction <minimumf>, %get3A_41, %reduce_min3A [1] : vector<1024x2000xf32> to vector<1024xf32>
      %convert_element_type3A_46 = arith.extsi %get3A_44 : vector<1024x2000xi16> to vector<1024x2000xi32>
      %mul3A = arith.constant 2000 : i32
      %mul3A_47 = vector.broadcast %mul3A : i32 to vector<1024x2000xi32>
      %mul3A_48 = arith.muli %convert_element_type3A_46, %mul3A_47 : vector<1024x2000xi32>
      %add3A_49 = arith.addi %mul3A_48, %iota3A : vector<1024x2000xi32>
      %broadcast_in_dim3A_50 = vector.shape_cast %reduce_min3A_45 : vector<1024xf32> to vector<1024x1xf32>
      %eq3A_51 = vector.broadcast %broadcast_in_dim3A_50 : vector<1024x1xf32> to vector<1024x2000xf32>
      %eq3A_52 = arith.cmpf oeq, %get3A_41, %eq3A_51 : vector<1024x2000xf32>
      %jit3A = arith.constant 1073741824 : i32
      %broadcast_in_dim3A_53 = vector.broadcast %jit3A : i32 to vector<1024x2000xi32>
      %select_n3A_54 = arith.select %eq3A_52, %add3A_49, %broadcast_in_dim3A_53 : vector<1024x2000xi1>, vector<1024x2000xi32>
      %reduce_min3A_55 = arith.constant dense<2147483647> : vector<1024xi32>
      %reduce_min3A_56 = vector.multi_reduction <minsi>, %select_n3A_54, %reduce_min3A_55 [1] : vector<1024x2000xi32> to vector<1024xi32>
      %swap3A_57 = arith.constant 0 : index
      %swap3A_58 = vector.load %arg5[%swap3A_57] : memref<1024xi32, #tpu.memory_space<vmem>>, vector<1024xi32>
      tpu.vector_store %arg5[%swap3A_57], %reduce_min3A_56 {strides = array<i32>} : memref<1024xi32, #tpu.memory_space<vmem>>, vector<1024xi32>,
    } else {
    }
    return
  }
  func.func @transform_0(%arg0: i32) -> (i32, i32) {
    %c0_i32 = arith.constant 0 : i32
    %c0_i32_0 = arith.constant 0 : i32
    %c0_i32_1 = arith.constant 0 : i32
    return %c0_i32, %c0_i32_0 : i32, i32
  }
  func.func @transform_1(%arg0: i32) -> (i32, i32) {
    %c0_i32 = arith.constant 0 : i32
    %c0_i32_0 = arith.constant 0 : i32
    return %arg0, %c0_i32 : i32, i32
  }
  func.func @transform_2(%arg0: i32) -> (i32, i32, i32) {
    %c0_i32 = arith.constant 0 : i32
    %c0_i32_0 = arith.constant 0 : i32
    %c0_i32_1 = arith.constant 0 : i32
    return %arg0, %c0_i32, %c0_i32_0 : i32, i32, i32
  }
  func.func @transform_3(%arg0: i32) -> i32 {
    %c0_i32 = arith.constant 0 : i32
    %c0_i32_0 = arith.constant 0 : i32
    return %c0_i32 : i32
  }
  func.func @transform_4(%arg0: i32) -> i32 {
    %c0_i32 = arith.constant 0 : i32
    %c0_i32_0 = arith.constant 0 : i32
    return %c0_i32 : i32
  }
}

module attributes {stable_mosaic.version = 14 : i64} {
  func.func @_mlp_body(%arg0: i32, %arg1: memref<1024x128xf32, #tpu.memory_space<vmem>>, %arg2: memref<128x512xf32, #tpu.memory_space<vmem>>, %arg3: memref<512xf32, #tpu.memory_space<vmem>>, %arg4: memref<512x512xf32, #tpu.memory_space<vmem>>, %arg5: memref<512xf32, #tpu.memory_space<vmem>>, %arg6: memref<512x512xf32, #tpu.memory_space<vmem>>, %arg7: memref<512xf32, #tpu.memory_space<vmem>>, %arg8: memref<512x512xf32, #tpu.memory_space<vmem>>, %arg9: memref<512xf32, #tpu.memory_space<vmem>>, %arg10: memref<512x512xf32, #tpu.memory_space<vmem>>, %arg11: memref<512xf32, #tpu.memory_space<vmem>>, %arg12: memref<512x512xf32, #tpu.memory_space<vmem>>, %arg13: memref<512xf32, #tpu.memory_space<vmem>>, %arg14: memref<512x512xf32, #tpu.memory_space<vmem>>, %arg15: memref<512xf32, #tpu.memory_space<vmem>>, %arg16: memref<512x512xf32, #tpu.memory_space<vmem>>, %arg17: memref<512xf32, #tpu.memory_space<vmem>>, %arg18: memref<512x128xf32, #tpu.memory_space<vmem>>, %arg19: memref<128xf32, #tpu.memory_space<vmem>>, %arg20: memref<512x128xf32, #tpu.memory_space<vmem>>, %arg21: memref<128xf32, #tpu.memory_space<vmem>>, %arg22: memref<1024x128xf32, #tpu.memory_space<vmem>>, %arg23: memref<1024x128xf32, #tpu.memory_space<vmem>>) attributes {dimension_semantics = [#tpu.dimension_semantics<arbitrary>], iteration_bounds = array<i64: 1>, scalar_prefetch = 0 : i64, scratch_operands = 0 : i64, tpu.core_type = #tpu.core_type<tc>, window_params = [{transform_indices = @transform_0, window_bounds = array<i64: 1024, 128>}, {pipeline_mode = #tpu.pipeline_mode<synchronous>, transform_indices = @transform_1, window_bounds = array<i64: 128, 512>}, {pipeline_mode = #tpu.pipeline_mode<synchronous>, transform_indices = @transform_2, window_bounds = array<i64: 512>}, {pipeline_mode = #tpu.pipeline_mode<synchronous>, transform_indices = @transform_3, window_bounds = array<i64: 512, 512>}, {pipeline_mode = #tpu.pipeline_mode<synchronous>, transform_indices = @transform_4, window_bounds = array<i64: 512>}, {pipeline_mode = #tpu.pipeline_mode<synchronous>, transform_indices = @transform_5, window_bounds = array<i64: 512, 512>}, {pipeline_mode = #tpu.pipeline_mode<synchronous>, transform_indices = @transform_6, window_bounds = array<i64: 512>}, {pipeline_mode = #tpu.pipeline_mode<synchronous>, transform_indices = @transform_7, window_bounds = array<i64: 512, 512>}, {pipeline_mode = #tpu.pipeline_mode<synchronous>, transform_indices = @transform_8, window_bounds = array<i64: 512>}, {pipeline_mode = #tpu.pipeline_mode<synchronous>, transform_indices = @transform_9, window_bounds = array<i64: 512, 512>}, {pipeline_mode = #tpu.pipeline_mode<synchronous>, transform_indices = @transform_10, window_bounds = array<i64: 512>}, {pipeline_mode = #tpu.pipeline_mode<synchronous>, transform_indices = @transform_11, window_bounds = array<i64: 512, 512>}, {pipeline_mode = #tpu.pipeline_mode<synchronous>, transform_indices = @transform_12, window_bounds = array<i64: 512>}, {pipeline_mode = #tpu.pipeline_mode<synchronous>, transform_indices = @transform_13, window_bounds = array<i64: 512, 512>}, {pipeline_mode = #tpu.pipeline_mode<synchronous>, transform_indices = @transform_14, window_bounds = array<i64: 512>}, {pipeline_mode = #tpu.pipeline_mode<synchronous>, transform_indices = @transform_15, window_bounds = array<i64: 512, 512>}, {pipeline_mode = #tpu.pipeline_mode<synchronous>, transform_indices = @transform_16, window_bounds = array<i64: 512>}, {pipeline_mode = #tpu.pipeline_mode<synchronous>, transform_indices = @transform_17, window_bounds = array<i64: 512, 128>}, {pipeline_mode = #tpu.pipeline_mode<synchronous>, transform_indices = @transform_18, window_bounds = array<i64: 128>}, {pipeline_mode = #tpu.pipeline_mode<synchronous>, transform_indices = @transform_19, window_bounds = array<i64: 512, 128>}, {pipeline_mode = #tpu.pipeline_mode<synchronous>, transform_indices = @transform_20, window_bounds = array<i64: 128>}, {transform_indices = @transform_21, window_bounds = array<i64: 1024, 128>}, {transform_indices = @transform_22, window_bounds = array<i64: 1024, 128>}]} {
    %get3A = arith.constant 0 : index
    %get3A_0 = arith.constant 0 : index
    %get3A_1 = vector.load %arg1[%get3A, %get3A_0] : memref<1024x128xf32, #tpu.memory_space<vmem>>, vector<1024x128xf32>
    %get3A_2 = arith.constant 0 : index
    %get3A_3 = arith.constant 0 : index
    %get3A_4 = vector.load %arg2[%get3A_2, %get3A_3] : memref<128x512xf32, #tpu.memory_space<vmem>>, vector<128x512xf32>
    %dot_general3A = arith.constant dense<0.000000e+00> : vector<1024x512xf32>
    %dot_general3A_5 = tpu.matmul %get3A_1, %get3A_4, %dot_general3A {dimension_numbers = #tpu.dot_dimension_numbers<[1], [0], [0], [1], [0, 0, 1, 1], [], []>, transpose_lhs_hint = false} : vector<1024x128xf32>, vector<128x512xf32>, vector<1024x512xf32> -> vector<1024x512xf32>
    %get3A_6 = arith.constant 0 : index
    %get3A_7 = vector.load %arg3[%get3A_6] : memref<512xf32, #tpu.memory_space<vmem>>, vector<512xf32>
    %broadcast_in_dim3A = vector.shape_cast %get3A_7 : vector<512xf32> to vector<1x512xf32>
    %add3A = vector.broadcast %broadcast_in_dim3A : vector<1x512xf32> to vector<1024x512xf32>
    %add3A_8 = arith.addf %dot_general3A_5, %add3A : vector<1024x512xf32>
    %tanh3A = math.tanh %add3A_8 : vector<1024x512xf32>
    %get3A_9 = arith.constant 0 : index
    %get3A_10 = arith.constant 0 : index
    %get3A_11 = vector.load %arg4[%get3A_9, %get3A_10] : memref<512x512xf32, #tpu.memory_space<vmem>>, vector<512x512xf32>
    %dot_general3A_12 = arith.constant dense<0.000000e+00> : vector<1024x512xf32>
    %dot_general3A_13 = tpu.matmul %tanh3A, %get3A_11, %dot_general3A_12 {dimension_numbers = #tpu.dot_dimension_numbers<[1], [0], [0], [1], [0, 0, 1, 1], [], []>, transpose_lhs_hint = false} : vector<1024x512xf32>, vector<512x512xf32>, vector<1024x512xf32> -> vector<1024x512xf32>
    %get3A_14 = arith.constant 0 : index
    %get3A_15 = vector.load %arg5[%get3A_14] : memref<512xf32, #tpu.memory_space<vmem>>, vector<512xf32>
    %broadcast_in_dim3A_16 = vector.shape_cast %get3A_15 : vector<512xf32> to vector<1x512xf32>
    %add3A_17 = vector.broadcast %broadcast_in_dim3A_16 : vector<1x512xf32> to vector<1024x512xf32>
    %add3A_18 = arith.addf %dot_general3A_13, %add3A_17 : vector<1024x512xf32>
    %tanh3A_19 = math.tanh %add3A_18 : vector<1024x512xf32>
    %get3A_20 = arith.constant 0 : index
    %get3A_21 = arith.constant 0 : index
    %get3A_22 = vector.load %arg6[%get3A_20, %get3A_21] : memref<512x512xf32, #tpu.memory_space<vmem>>, vector<512x512xf32>
    %dot_general3A_23 = arith.constant dense<0.000000e+00> : vector<1024x512xf32>
    %dot_general3A_24 = tpu.matmul %tanh3A_19, %get3A_22, %dot_general3A_23 {dimension_numbers = #tpu.dot_dimension_numbers<[1], [0], [0], [1], [0, 0, 1, 1], [], []>, transpose_lhs_hint = false} : vector<1024x512xf32>, vector<512x512xf32>, vector<1024x512xf32> -> vector<1024x512xf32>
    %get3A_25 = arith.constant 0 : index
    %get3A_26 = vector.load %arg7[%get3A_25] : memref<512xf32, #tpu.memory_space<vmem>>, vector<512xf32>
    %broadcast_in_dim3A_27 = vector.shape_cast %get3A_26 : vector<512xf32> to vector<1x512xf32>
    %add3A_28 = vector.broadcast %broadcast_in_dim3A_27 : vector<1x512xf32> to vector<1024x512xf32>
    %add3A_29 = arith.addf %dot_general3A_24, %add3A_28 : vector<1024x512xf32>
    %tanh3A_30 = math.tanh %add3A_29 : vector<1024x512xf32>
    %get3A_31 = arith.constant 0 : index
    %get3A_32 = arith.constant 0 : index
    %get3A_33 = vector.load %arg8[%get3A_31, %get3A_32] : memref<512x512xf32, #tpu.memory_space<vmem>>, vector<512x512xf32>
    %dot_general3A_34 = arith.constant dense<0.000000e+00> : vector<1024x512xf32>
    %dot_general3A_35 = tpu.matmul %tanh3A_19, %get3A_33, %dot_general3A_34 {dimension_numbers = #tpu.dot_dimension_numbers<[1], [0], [0], [1], [0, 0, 1, 1], [], []>, transpose_lhs_hint = false} : vector<1024x512xf32>, vector<512x512xf32>, vector<1024x512xf32> -> vector<1024x512xf32>
    %get3A_36 = arith.constant 0 : index
    %get3A_37 = vector.load %arg9[%get3A_36] : memref<512xf32, #tpu.memory_space<vmem>>, vector<512xf32>
    %broadcast_in_dim3A_38 = vector.shape_cast %get3A_37 : vector<512xf32> to vector<1x512xf32>
    %add3A_39 = vector.broadcast %broadcast_in_dim3A_38 : vector<1x512xf32> to vector<1024x512xf32>
    %add3A_40 = arith.addf %dot_general3A_35, %add3A_39 : vector<1024x512xf32>
    %tanh3A_41 = math.tanh %add3A_40 : vector<1024x512xf32>
    %add3A_42 = arith.addf %tanh3A_19, %tanh3A_30 : vector<1024x512xf32>
    %get3A_43 = arith.constant 0 : index
    %get3A_44 = arith.constant 0 : index
    %get3A_45 = vector.load %arg10[%get3A_43, %get3A_44] : memref<512x512xf32, #tpu.memory_space<vmem>>, vector<512x512xf32>
    %dot_general3A_46 = arith.constant dense<0.000000e+00> : vector<1024x512xf32>
    %dot_general3A_47 = tpu.matmul %add3A_42, %get3A_45, %dot_general3A_46 {dimension_numbers = #tpu.dot_dimension_numbers<[1], [0], [0], [1], [0, 0, 1, 1], [], []>, transpose_lhs_hint = false} : vector<1024x512xf32>, vector<512x512xf32>, vector<1024x512xf32> -> vector<1024x512xf32>
    %get3A_48 = arith.constant 0 : index
    %get3A_49 = vector.load %arg11[%get3A_48] : memref<512xf32, #tpu.memory_space<vmem>>, vector<512xf32>
    %broadcast_in_dim3A_50 = vector.shape_cast %get3A_49 : vector<512xf32> to vector<1x512xf32>
    %add3A_51 = vector.broadcast %broadcast_in_dim3A_50 : vector<1x512xf32> to vector<1024x512xf32>
    %add3A_52 = arith.addf %dot_general3A_47, %add3A_51 : vector<1024x512xf32>
    %tanh3A_53 = math.tanh %add3A_52 : vector<1024x512xf32>
    %get3A_54 = arith.constant 0 : index
    %get3A_55 = arith.constant 0 : index
    %get3A_56 = vector.load %arg12[%get3A_54, %get3A_55] : memref<512x512xf32, #tpu.memory_space<vmem>>, vector<512x512xf32>
    %dot_general3A_57 = arith.constant dense<0.000000e+00> : vector<1024x512xf32>
    %dot_general3A_58 = tpu.matmul %tanh3A_19, %get3A_56, %dot_general3A_57 {dimension_numbers = #tpu.dot_dimension_numbers<[1], [0], [0], [1], [0, 0, 1, 1], [], []>, transpose_lhs_hint = false} : vector<1024x512xf32>, vector<512x512xf32>, vector<1024x512xf32> -> vector<1024x512xf32>
    %get3A_59 = arith.constant 0 : index
    %get3A_60 = vector.load %arg13[%get3A_59] : memref<512xf32, #tpu.memory_space<vmem>>, vector<512xf32>
    %broadcast_in_dim3A_61 = vector.shape_cast %get3A_60 : vector<512xf32> to vector<1x512xf32>
    %add3A_62 = vector.broadcast %broadcast_in_dim3A_61 : vector<1x512xf32> to vector<1024x512xf32>
    %add3A_63 = arith.addf %dot_general3A_58, %add3A_62 : vector<1024x512xf32>
    %tanh3A_64 = math.tanh %add3A_63 : vector<1024x512xf32>
    %get3A_65 = arith.constant 0 : index
    %get3A_66 = arith.constant 0 : index
    %get3A_67 = vector.load %arg14[%get3A_65, %get3A_66] : memref<512x512xf32, #tpu.memory_space<vmem>>, vector<512x512xf32>
    %dot_general3A_68 = arith.constant dense<0.000000e+00> : vector<1024x512xf32>
    %dot_general3A_69 = tpu.matmul %tanh3A_53, %get3A_67, %dot_general3A_68 {dimension_numbers = #tpu.dot_dimension_numbers<[1], [0], [0], [1], [0, 0, 1, 1], [], []>, transpose_lhs_hint = false} : vector<1024x512xf32>, vector<512x512xf32>, vector<1024x512xf32> -> vector<1024x512xf32>
    %get3A_70 = arith.constant 0 : index
    %get3A_71 = vector.load %arg15[%get3A_70] : memref<512xf32, #tpu.memory_space<vmem>>, vector<512xf32>
    %broadcast_in_dim3A_72 = vector.shape_cast %get3A_71 : vector<512xf32> to vector<1x512xf32>
    %add3A_73 = vector.broadcast %broadcast_in_dim3A_72 : vector<1x512xf32> to vector<1024x512xf32>
    %add3A_74 = arith.addf %dot_general3A_69, %add3A_73 : vector<1024x512xf32>
    %tanh3A_75 = math.tanh %add3A_74 : vector<1024x512xf32>
    %add3A_76 = arith.addf %tanh3A_53, %tanh3A_41 : vector<1024x512xf32>
    %get3A_77 = arith.constant 0 : index
    %get3A_78 = arith.constant 0 : index
    %get3A_79 = vector.load %arg16[%get3A_77, %get3A_78] : memref<512x512xf32, #tpu.memory_space<vmem>>, vector<512x512xf32>
    %dot_general3A_80 = arith.constant dense<0.000000e+00> : vector<1024x512xf32>
    %dot_general3A_81 = tpu.matmul %add3A_76, %get3A_79, %dot_general3A_80 {dimension_numbers = #tpu.dot_dimension_numbers<[1], [0], [0], [1], [0, 0, 1, 1], [], []>, transpose_lhs_hint = false} : vector<1024x512xf32>, vector<512x512xf32>, vector<1024x512xf32> -> vector<1024x512xf32>
    %get3A_82 = arith.constant 0 : index
    %get3A_83 = vector.load %arg17[%get3A_82] : memref<512xf32, #tpu.memory_space<vmem>>, vector<512xf32>
    %broadcast_in_dim3A_84 = vector.shape_cast %get3A_83 : vector<512xf32> to vector<1x512xf32>
    %add3A_85 = vector.broadcast %broadcast_in_dim3A_84 : vector<1x512xf32> to vector<1024x512xf32>
    %add3A_86 = arith.addf %dot_general3A_81, %add3A_85 : vector<1024x512xf32>
    %tanh3A_87 = math.tanh %add3A_86 : vector<1024x512xf32>
    %add3A_88 = arith.addf %tanh3A_64, %tanh3A_75 : vector<1024x512xf32>
    %add3A_89 = arith.addf %add3A_88, %tanh3A_87 : vector<1024x512xf32>
    %get3A_90 = arith.constant 0 : index
    %get3A_91 = arith.constant 0 : index
    %get3A_92 = vector.load %arg18[%get3A_90, %get3A_91] : memref<512x128xf32, #tpu.memory_space<vmem>>, vector<512x128xf32>
    %dot_general3A_93 = arith.constant dense<0.000000e+00> : vector<1024x128xf32>
    %dot_general3A_94 = tpu.matmul %add3A_89, %get3A_92, %dot_general3A_93 {dimension_numbers = #tpu.dot_dimension_numbers<[1], [0], [0], [1], [0, 0, 1, 1], [], []>, transpose_lhs_hint = false} : vector<1024x512xf32>, vector<512x128xf32>, vector<1024x128xf32> -> vector<1024x128xf32>
    %get3A_95 = arith.constant 0 : index
    %get3A_96 = vector.load %arg19[%get3A_95] : memref<128xf32, #tpu.memory_space<vmem>>, vector<128xf32>
    %broadcast_in_dim3A_97 = vector.shape_cast %get3A_96 : vector<128xf32> to vector<1x128xf32>
    %add3A_98 = vector.broadcast %broadcast_in_dim3A_97 : vector<1x128xf32> to vector<1024x128xf32>
    %add3A_99 = arith.addf %dot_general3A_94, %add3A_98 : vector<1024x128xf32>
    %swap3A = arith.constant 0 : index
    %swap3A_100 = arith.constant 0 : index
    %swap3A_101 = vector.load %arg22[%swap3A, %swap3A_100] : memref<1024x128xf32, #tpu.memory_space<vmem>>, vector<1024x128xf32>
    tpu.vector_store %arg22[%swap3A, %swap3A_100], %add3A_99 {strides = array<i32>} : memref<1024x128xf32, #tpu.memory_space<vmem>>, vector<1024x128xf32>,
    %get3A_102 = arith.constant 0 : index
    %get3A_103 = arith.constant 0 : index
    %get3A_104 = vector.load %arg20[%get3A_102, %get3A_103] : memref<512x128xf32, #tpu.memory_space<vmem>>, vector<512x128xf32>
    %dot_general3A_105 = arith.constant dense<0.000000e+00> : vector<1024x128xf32>
    %dot_general3A_106 = tpu.matmul %add3A_89, %get3A_104, %dot_general3A_105 {dimension_numbers = #tpu.dot_dimension_numbers<[1], [0], [0], [1], [0, 0, 1, 1], [], []>, transpose_lhs_hint = false} : vector<1024x512xf32>, vector<512x128xf32>, vector<1024x128xf32> -> vector<1024x128xf32>
    %get3A_107 = arith.constant 0 : index
    %get3A_108 = vector.load %arg21[%get3A_107] : memref<128xf32, #tpu.memory_space<vmem>>, vector<128xf32>
    %broadcast_in_dim3A_109 = vector.shape_cast %get3A_108 : vector<128xf32> to vector<1x128xf32>
    %add3A_110 = vector.broadcast %broadcast_in_dim3A_109 : vector<1x128xf32> to vector<1024x128xf32>
    %add3A_111 = arith.addf %dot_general3A_106, %add3A_110 : vector<1024x128xf32>
    %swap3A_112 = arith.constant 0 : index
    %swap3A_113 = arith.constant 0 : index
    %swap3A_114 = vector.load %arg23[%swap3A_112, %swap3A_113] : memref<1024x128xf32, #tpu.memory_space<vmem>>, vector<1024x128xf32>
    tpu.vector_store %arg23[%swap3A_112, %swap3A_113], %add3A_111 {strides = array<i32>} : memref<1024x128xf32, #tpu.memory_space<vmem>>, vector<1024x128xf32>,
    return
  }
  func.func @transform_0(%arg0: i32) -> (i32, i32) {
    %c0_i32 = arith.constant 0 : i32
    %c0_i32_0 = arith.constant 0 : i32
    return %arg0, %c0_i32 : i32, i32
  }
  func.func @transform_1(%arg0: i32) -> (i32, i32) {
    %c0_i32 = arith.constant 0 : i32
    %c0_i32_0 = arith.constant 0 : i32
    %c0_i32_1 = arith.constant 0 : i32
    return %c0_i32, %c0_i32_0 : i32, i32
  }
  func.func @transform_2(%arg0: i32) -> i32 {
    %c0_i32 = arith.constant 0 : i32
    %c0_i32_0 = arith.constant 0 : i32
    return %c0_i32 : i32
  }
  func.func @transform_3(%arg0: i32) -> (i32, i32) {
    %c0_i32 = arith.constant 0 : i32
    %c0_i32_0 = arith.constant 0 : i32
    %c0_i32_1 = arith.constant 0 : i32
    return %c0_i32, %c0_i32_0 : i32, i32
  }
  func.func @transform_4(%arg0: i32) -> i32 {
    %c0_i32 = arith.constant 0 : i32
    %c0_i32_0 = arith.constant 0 : i32
    return %c0_i32 : i32
  }
  func.func @transform_5(%arg0: i32) -> (i32, i32) {
    %c0_i32 = arith.constant 0 : i32
    %c0_i32_0 = arith.constant 0 : i32
    %c0_i32_1 = arith.constant 0 : i32
    return %c0_i32, %c0_i32_0 : i32, i32
  }
  func.func @transform_6(%arg0: i32) -> i32 {
    %c0_i32 = arith.constant 0 : i32
    %c0_i32_0 = arith.constant 0 : i32
    return %c0_i32 : i32
  }
  func.func @transform_7(%arg0: i32) -> (i32, i32) {
    %c0_i32 = arith.constant 0 : i32
    %c0_i32_0 = arith.constant 0 : i32
    %c0_i32_1 = arith.constant 0 : i32
    return %c0_i32, %c0_i32_0 : i32, i32
  }
  func.func @transform_8(%arg0: i32) -> i32 {
    %c0_i32 = arith.constant 0 : i32
    %c0_i32_0 = arith.constant 0 : i32
    return %c0_i32 : i32
  }
  func.func @transform_9(%arg0: i32) -> (i32, i32) {
    %c0_i32 = arith.constant 0 : i32
    %c0_i32_0 = arith.constant 0 : i32
    %c0_i32_1 = arith.constant 0 : i32
    return %c0_i32, %c0_i32_0 : i32, i32
  }
  func.func @transform_10(%arg0: i32) -> i32 {
    %c0_i32 = arith.constant 0 : i32
    %c0_i32_0 = arith.constant 0 : i32
    return %c0_i32 : i32
  }
  func.func @transform_11(%arg0: i32) -> (i32, i32) {
    %c0_i32 = arith.constant 0 : i32
    %c0_i32_0 = arith.constant 0 : i32
    %c0_i32_1 = arith.constant 0 : i32
    return %c0_i32, %c0_i32_0 : i32, i32
  }
  func.func @transform_12(%arg0: i32) -> i32 {
    %c0_i32 = arith.constant 0 : i32
    %c0_i32_0 = arith.constant 0 : i32
    return %c0_i32 : i32
  }
  func.func @transform_13(%arg0: i32) -> (i32, i32) {
    %c0_i32 = arith.constant 0 : i32
    %c0_i32_0 = arith.constant 0 : i32
    %c0_i32_1 = arith.constant 0 : i32
    return %c0_i32, %c0_i32_0 : i32, i32
  }
  func.func @transform_14(%arg0: i32) -> i32 {
    %c0_i32 = arith.constant 0 : i32
    %c0_i32_0 = arith.constant 0 : i32
    return %c0_i32 : i32
  }
  func.func @transform_15(%arg0: i32) -> (i32, i32) {
    %c0_i32 = arith.constant 0 : i32
    %c0_i32_0 = arith.constant 0 : i32
    %c0_i32_1 = arith.constant 0 : i32
    return %c0_i32, %c0_i32_0 : i32, i32
  }
  func.func @transform_16(%arg0: i32) -> i32 {
    %c0_i32 = arith.constant 0 : i32
    %c0_i32_0 = arith.constant 0 : i32
    return %c0_i32 : i32
  }
  func.func @transform_17(%arg0: i32) -> (i32, i32) {
    %c0_i32 = arith.constant 0 : i32
    %c0_i32_0 = arith.constant 0 : i32
    %c0_i32_1 = arith.constant 0 : i32
    return %c0_i32, %c0_i32_0 : i32, i32
  }
  func.func @transform_18(%arg0: i32) -> i32 {
    %c0_i32 = arith.constant 0 : i32
    %c0_i32_0 = arith.constant 0 : i32
    return %c0_i32 : i32
  }
  func.func @transform_19(%arg0: i32) -> (i32, i32) {
    %c0_i32 = arith.constant 0 : i32
    %c0_i32_0 = arith.constant 0 : i32
    %c0_i32_1 = arith.constant 0 : i32
    return %c0_i32, %c0_i32_0 : i32, i32
  }
  func.func @transform_20(%arg0: i32) -> i32 {
    %c0_i32 = arith.constant 0 : i32
    %c0_i32_0 = arith.constant 0 : i32
    return %c0_i32 : i32
  }
  func.func @transform_21(%arg0: i32) -> (i32, i32) {
    %c0_i32 = arith.constant 0 : i32
    %c0_i32_0 = arith.constant 0 : i32
    return %arg0, %c0_i32 : i32, i32
  }
  func.func @transform_22(%arg0: i32) -> (i32, i32) {
    %c0_i32 = arith.constant 0 : i32
    %c0_i32_0 = arith.constant 0 : i32
    return %arg0, %c0_i32 : i32, i32
  }
}

</mosaic_0001>

<sc_bundles>
// kernel: kernel.5.cloned.1.call-start
scs
__scs_entry_jumppad:
0x0: {  	(pc) =	sbr.rel $0x88, $3  }
0x1: {  	(tag) =	ssettag $0x0;
	lr =	simm.s32 $0x1  }
0x2: {  	[smem:$0x3F8B] =	sst lr;
	_ =	strace $0xD0000000  }
0x3: {  	_ = 	snop  }
0x4: {  	_ = 	snop  }
0x5: {  	_ = 	snop  }
0x6: {  	_ = 	snop  }
0x7: {  	_ = 	snop  }
__scs_overlays_trampoline_lowered:
0x8: {  	[smem:$0x3F9A] =	sst s0  }
0x9: {  	[smem:$0x3F9B] =	sst s1  }
0xa: {  	[smem:$0x3F9C] =	sst s2  }
0xb: {  	[smem:$0x3F9D] =	sst s3  }
0xc: {  	[smem:$0x3F9E] =	sst s4  }
0xd: {  	[smem:$0x3F9F] =	sst s5  }
0xe: {  	[smem:$0x3FA0] =	sst s6  }
0xf: {  	[smem:$0x3FA1] =	sst s7  }
0x10: {  	[smem:$0x3FA2] =	sst s8  }
0x11: {  	[smem:$0x3FA3] =	sst s9;
	s0 =	simm.s32 @!p0 $0x0  }
0x12: {  	s1 =	sld [smem:$0x3F89];
	s0 =	simm.s32 @p0 $0x1  }
0x13: {  	[smem:$0x3FA4] =	sst s0;
	s0 =	simm.s32 @!p1 $0x0  }
0x14: {  	s2 =	sld [smem:$0x3F88];
	s0 =	simm.s32 @p1 $0x1  }
0x15: {  	[smem:$0x3FA5] =	sst s0;
	s0 =	simm.s32 @!p2 $0x0  }
0x16: {  	s3 =	sld [smem:$0x3FDB];
	s0 =	simm.s32 @p2 $0x1  }
0x17: {  	s4 =	simm.s32 $0x1BF5;
	[smem:$0x3FA7] =	sst s0  }
0x18: {  	s0 =	sld [smem:$0x3F8A];
	_ =	swait.ge [sflag:s4], $0x0  }
0x19: {  	s7 =	sld [smem:$0x3F8B]  }
0x1a: {  	s8 =	sadd.s32 $0xFFFFE003, lr  }
0x1b: {  	s9 =	sadd.s32 $0xFFFFFEF7, lr;
	s5 =	simm.s32 $0xFFFFFFFF;
	p2 =	slt.u32 s8, $0xFFFFF086  }
0x1c: {  	p1 =	slt.u32 s9, $0xF7A;
	s5 =	simm.s32 @!p2 $0x0  }
0x1d: {  	s5 =	simm.s32 @p1 $0x1;
	p0 =	seq.s32 s7, s2  }
0x1e: {  	s7 =	smul.u32 @!p0 $0xF7A, s2;
	p2 =	seq.s32 @!p0 s5, $0x0  }
0x1f: {  	s9 =	smul.u32 $0xF7A, s1;
	s8 =	simm.s32 @!p0 $0x1BF5;
	p2 =	por !p2, p0  }
0x20: {  	[sflag:s8] =	ssyncset.s32 @!p0 $0xFFFFF086;
	s6 =	sadd.s32 @!p0 s3, s7;
	s7 =	simm.s32 @!p0 $0x108  }
0x21: {  	s3 =	sadd.s32 s3, s9;
	s6 =	sadd.s32 @!p0 $0x88, s6;
	s7 =	simm.s32 @p2 $0x1082  }
0x22: {  	[simem:s7], [sflag:s8] =	dma.local @!p0 [hbm:s6], $0xF7A  }
0x23: {  	s9 =	sor.u32 $0xD0000000, s2;
	s6 =	simm.s32 $0x108;
	_ =	swait.ge @!p0 [sflag:s8], $0x0  }
0x24: {  	s3 =	sadd.s32 $0x88, s3;
	s6 =	simm.s32 @!p1 $0x1082;
	[sflag:s4] =	ssyncset.s32 $0xFFFFF086  }
0x25: {  	[simem:s6], [sflag:s4] =	dma.local [hbm:s3], $0xF7A  }
0x26: {  	[smem:$0x3F8B] =	sst s1;
	(tag) =	ssettag s2;
	_ =	strace s9  }
0x27: {  	s1 =	sld [smem:$0x3F9B]  }
0x28: {  	s2 =	sld [smem:$0x3F9C]  }
0x29: {  	s4 =	sld [smem:$0x3F9E]  }
0x2a: {  	p0 =	seq.s32 s5, $0x0;
	s5 =	sld [smem:$0x3F9F]  }
0x2b: {  	s6 =	sld [smem:$0x3FA0]  }
0x2c: {  	s7 =	sld [smem:$0x3FA1]  }
0x2d: {  	s3 =	simm.s32 $0x108;
	s8 =	sld [smem:$0x3FA2]  }
0x2e: {  	s3 =	simm.s32 @!p0 $0x1082;
	s9 =	sld [smem:$0x3FA3]  }
0x2f: {  	lr =	sadd.s32 s0, s3;
	s0 =	sld [smem:$0x3F9A]  }
0x30: {  	s3 =	sld [smem:$0x3F9D]  }
0x31: {  	[smem:$0x3FA6] =	sst s10  }
0x32: {  	s10 =	sld [smem:$0x3FA4];
	_ =	sdelay $0x3  }
0x33: {  	p0 =	seq.s32 s10, $0x1;
	s10 =	sld [smem:$0x3FA6];
	_ =	sdelay $0x3  }
0x34: {  	[smem:$0x3FA6] =	sst s10  }
0x35: {  	s10 =	sld [smem:$0x3FA5];
	_ =	sdelay $0x3  }
0x36: {  	p1 =	seq.s32 s10, $0x1;
	s10 =	sld [smem:$0x3FA6];
	_ =	sdelay $0x3  }
0x37: {  	[smem:$0x3FA6] =	sst s10  }
0x38: {  	s10 =	sld [smem:$0x3FA7]  }
0x39: {  	_ = 	snop;
	(pc) =	sbr.ind lr, $3  }
0x3a: {  	_ = 	snop  }
0x3b: {  	_ = 	snop  }
0x3c: {  	p2 =	seq.s32 s10, $0x1;
	s10 =	sld [smem:$0x3FA6]  }
0x3d: {  	_ =	shalt  }
0x3e: {  	_ =	shalt  }
0x3f: {  	_ =	shalt  }
0x40: {  	_ =	shalt  }
0x41: {  	_ =	shalt  }
0x42: {  	_ =	shalt  }
0x43: {  	_ =	shalt  }
0x44: {  	_ =	shalt  }
0x45: {  	_ =	shalt  }
0x46: {  	_ =	shalt  }
0x47: {  	_ =	shalt  }
0x48: {  	_ =	shalt  }
0x49: {  	_ =	shalt  }
0x4a: {  	_ =	shalt  }
0x4b: {  	_ =	shalt  }
0x4c: {  	_ =	shalt  }
0x4d: {  	_ =	shalt  }
0x4e: {  	_ =	shalt  }
0x4f: {  	_ =	shalt  }
0x50: {  	_ =	shalt  }
0x51: {  	_ =	shalt  }
0x52: {  	_ =	shalt  }
0x53: {  	_ =	shalt  }
0x54: {  	_ =	shalt  }
0x55: {  	_ =	shalt  }
0x56: {  	_ =	shalt  }
0x57: {  	_ =	shalt  }
0x58: {  	_ =	shalt  }
0x59: {  	_ =	shalt  }
0x5a: {  	_ =	shalt  }
0x5b: {  	_ =	shalt  }
0x5c: {  	_ =	shalt  }
0x5d: {  	_ =	shalt  }
0x5e: {  	_ =	shalt  }
0x5f: {  	_ =	shalt  }
0x60: {  	_ =	shalt  }
0x61: {  	_ =	shalt  }
0x62: {  	_ =	shalt  }
0x63: {  	_ =	shalt  }
0x64: {  	_ =	shalt  }
0x65: {  	_ =	shalt  }
0x66: {  	_ =	shalt  }
0x67: {  	_ =	shalt  }
0x68: {  	_ =	shalt  }
0x69: {  	_ =	shalt  }
0x6a: {  	_ =	shalt  }
0x6b: {  	_ =	shalt  }
0x6c: {  	_ =	shalt  }
0x6d: {  	_ =	shalt  }
0x6e: {  	_ =	shalt  }
0x6f: {  	_ =	shalt  }
0x70: {  	_ =	shalt  }
0x71: {  	_ =	shalt  }
0x72: {  	_ =	shalt  }
0x73: {  	_ =	shalt  }
0x74: {  	_ =	shalt  }
0x75: {  	_ =	shalt  }
0x76: {  	_ =	shalt  }
0x77: {  	_ =	shalt  }
0x78: {  	_ =	shalt  }
0x79: {  	_ =	shalt  }
0x7a: {  	_ =	shalt  }
0x7b: {  	_ =	shalt  }
0x7c: {  	_ =	shalt  }
0x7d: {  	_ =	shalt  }
0x7e: {  	_ =	shalt  }
0x7f: {  	_ =	shalt  }
0x80: {  	_ =	shalt  }
0x81: {  	_ =	shalt  }
0x82: {  	_ =	shalt  }
0x83: {  	_ =	shalt  }
0x84: {  	_ =	shalt  }
0x85: {  	_ =	shalt  }
0x86: {  	_ =	shalt  }
0x87: {  	_ =	shalt  }
.Lfunc_end0:
.L_simem_size_0:
called_computation_lowered:
.L_overlay_start_0:
0x88: {  	s2 =	sld [smem:$0x3FD9]  }
0x89: {  	s3 =	sld [smem:$0x3FFE];
	_ =	sdelay $0x1  }
0x8a: {  	s1 =	srdreg.scid  }
0x8b: {  	s0 =	sand.u32 $0x1, s1  }
0x8c: {  	s15 =	sshll.u32 s0, $0xA;
	s2 =	sadd.s32 s3, s2  }
0x8d: {  	s2 =	sadd.s32 s2, s15  }
0x8e: {  	[smem:$0x3FB2] =	sst s2  }
0x8f: {  	_ = 	snop  }
0x90: {  	s2 =	sld [smem:$0x3FD0];
	_ =	sdelay $0x2  }
0x91: {  	s4 =	simm.s32 $0xA;
	s5 =	simm.s32 $0x10;
	s16 =	sld [smem:$0x3FC8]  }
0x92: {  	[smem:s5], [sflag:s4] =	dma.local [hbm:s2], $0x1  }
0x93: {  	_ =	swait.eq [sflag:s4], $0x1  }
0x94: {  	[sflag:s4] =	ssyncset.done $0x0  }
0x95: {  	s17 =	sld [smem:$0x10];
	[sflag:s4] =	ssyncadd.s32 $0xFFFFFFFF  }
0x96: {  	s18 =	sld [smem:$0x11];
	(tm) =	ssettm $0x1  }
0x97: {  	s19 =	sld [smem:$0x3FFB];
	_ =	sdelay $0x3  }
0x98: {  	_ =	strace s19  }
0x99: {  	s5 =	sld [smem:$0x3FFC];
	_ =	sdelay $0x3  }
0x9a: {  	_ =	strace s5  }
0x9b: {  	s5 =	sld [smem:$0x3FFD];
	_ =	sdelay $0x3  }
0x9c: {  	_ =	strace s5  }
0x9d: {  	_ =	strace $0x8FFFFFFF  }
0x9e: {  	s20 =	sld [smem:$0x3FDB];
	_ =	sdelay $0x1  }
0x9f: {  	s6 =	simm.s32 $_scs_section_size  }
0xa0: {  	s7 =	simm.s32 $_size__tile_overlayer_lowered;
	s8 =	simm.s32 $_tile_overlayer_lowered  }
0xa1: {  	s23 =	simm.s32 $0x1BFF;
	s22 =	sshll.u32 s8, $0x1;
	s5 =	sadd.s32 s6, s20  }
0xa2: {  	s9 =	simm.s32 $0x0;
	s21 =	sshll.u32 s7, $0x1;
	s7 =	sadd.s32 s22, s5  }
0xa3: {  	[timem:s9], [sflag:s23] =	dma.local [hbm:s7], s21  }
0xa4: {  	_ =	swait.ge [sflag:s23], s21  }
0xa5: {  	s6 =	ssub.s32 $0x0, s21;
	[sflag:s23] =	ssyncset.done $0x0  }
0xa6: {  	[sflag:s23] =	ssyncadd.s32 s6;
	_ =	sdelay $0x1  }
0xa7: {  	s24 =	simm.s32 $0x1B8B  }
0xa8: {  	_ =	swait.ge [sflag:s24], $0x1  }
0xa9: {  	[sflag:s24] =	ssyncset.done $0x0  }
0xaa: {  	s25 =	simm.s32 $0x1B8E;
	[sflag:s24] =	ssyncadd.s32 $0xFFFFFFFF  }
0xab: {  	s26 =	simm.s32 $execute0_lowered;
	[smem:$0x3FD2] =	sst s25  }
0xac: {  	s6 =	sshll.u32 s26, $0x1;
	_ =	strace $0x80000046;
	[dreg:$0x1] =	wrdreg $0xFFFFFFFF  }
0xad: {  	s28 =	simm.s32 $_size_execute0_lowered;
	s5 =	sadd.s32 s5, s6;
	[dreg:$0x0] =	wrdreg $0x0  }
0xae: {  	s6 =	sshll.u32 s28, $0x1;
	[dreg:$0x2] =	wrdreg s5  }
0xaf: {  	[dreg:$0x3] =	wrdreg s6  }
0xb0: {  	[dreg:$0x4] =	wrdreg $0xC0  }
0xb1: {  	_ =	task [dreg:s9], $0x5FFFF  }
0xb2: {  	[dreg:$0x1] =	wrdreg $0xFFFFFFFF  }
0xb3: {  	[dreg:$0x0] =	wrdreg $0x60  }
0xb4: {  	[dreg:$0x2] =	wrdreg s16  }
0xb5: {  	[dreg:$0x3] =	wrdreg s17  }
0xb6: {  	[dreg:$0x4] =	wrdreg s18  }
0xb7: {  	[dreg:$0x5] =	wrdreg $0x9  }
0xb8: {  	_ =	task.clear_ibuf [dreg:s9], $0x6FFFF;
	_ =	strace $0x90000046  }
0xb9: {  	s29 =	simm.s32 $0x9;
	_ =	strace $0x80000048  }
0xba: {  	_ =	swait.ge [sflag:s29], $0x1  }
0xbb: {  	[sflag:s29] =	ssyncadd.s32 $0xFFFFFFFF  }
0xbc: {  	_ =	strace $0x90000048  }
0xbd: {  	_ =	sfence  }
0xbe: {  	s30 =	sld [smem:$0x0];
	_ =	sdelay $0x2  }
0xbf: {  	s31 =	sshll.u32 s1, $0xD;
	s1 =	sshrl.u32 s1, $0x2  }
0xc0: {  	s3 =	sand.u32 $0x4000, s31;
	s1 =	sadd.s32 s1, s30  }
0xc1: {  	s0 =	sor.u32 s3, s0;
	s1 =	sshll.u32 s1, $0x11  }
0xc2: {  	s0 =	sor.u32 s1, s0  }
0xc3: {  	s0 =	sadd.s32 $0x8F2B, s0  }
0xc4: {  	[sflag:s0] =	ssyncadd.remote.s32 $0x1  }
0xc5: {  	_ =	sfence.sel $0xFFFF  }
0xc6: {  	[dreg:$0x0] =	wrdreg $0xFFFFFFFF;
	(pc) =	sbr.abs _section_cstart, $3  }
0xc7: {  	[dreg:$0x1] =	wrdreg $0xFFFFFFFF  }
0xc8: {  	_ =	task.clear_ibuf [dreg:s9], $0x2FFFF;
	_ =	strace $0x9FFFFFFF  }
0xc9: {  	(tm) =	ssettm $0x7FFFFFFF  }
tec
execute0_lowered:
.L_overlay_start_1:
0x0: {  	(tag) =	ssettag $0x1  }
0x1: {  	s1 =	rddreg [dreg:$0x0]  }
0x2: {  	s2 =	srdreg.scid;
	s4 =	rddreg [dreg:$0x1]  }
0x3: {  	s0 =	stileid.u32;
	s9 =	rddreg [dreg:$0x2];
	s6 =	sand.u32 $0x1, s2  }
0x4: {  	s3 =	simm.s32 $0x0;
	s5 =	sshll.u32 s0, $0x6;
	s7 =	sshll.u32 s6, $0x5  }
0x5: {  	[smem:$0x7FF] =	sst s3;
	s10 =	sor.u32 s7, s5  }
0x6: {  	s2 =	rddreg [dreg:$0x3];
	_ =	strace $0x80000047;
	s5 =	sshrl.u32 s10, $0x3  }
0x7: {  	s11 =	ssub.s32 $0x2, s6;
	s5 =	sadd.s32 s4, s5;
	s4 =	simm.s32 $0x2  }
0x8: {  	[tilespmem:s3], [sflag:$0x2] =	stream.linear.gather [hbm4b:s5+s3], $0x20, $0x38;
	[tilespmem:$0x1080] =	vst v63  }
0x9: {  	s8 =	simm.s32 $0x1;
	s12 =	sshrl.u32 s11, $0x1;
	_ =	swait.ge [sflag:s4], $0x20  }
0xa: {  	s6 =	simm.s32 $0x20;
	s11 =	ssub.s32 s11, s12;
	[sflag:s4] =	ssyncset.done $0x0  }
0xb: {  	s7 =	simm.s32 $0x80;
	s31 =	smax.u32 s11, $0x1;
	[sflag:s4] =	ssyncadd.s32 $0xFFFFFFE0  }
0xc: {  	[tilespmem:s7], [sflag:$0x1] =	stream.indirect.gather [hbm4b:s1+s6], $0x80, s3, s6, $0xb8;
	[tilespmem:$0x1080] =	vst v63  }
0xd: {  	p0 =	sne.s32 s31, $0x1;
	_ =	swait.ge [sflag:s8], $0x1000  }
.Ltmp0:
0xe: {  	s10 =	sshll.u32 s10, $0x4;
	[sflag:s8] =	ssyncset.done $0x0;
	(pc) =	sbr.rel @!p0 .LBB2_2-.Ltmp0, $4  }
0xf: {  	s9 =	sadd.s32 s9, s10;
	[sflag:s8] =	ssyncadd.s32 $0xFFFFF000  }
0x10: {  	[hbm4b:s9+s3] =	stream.linear.scatter [tilespmem:s7], [sflag:$0x2], $0x1000, $0x38;
	[tilespmem:$0x1080] =	vst v63  }
0x11: {  	_ =	swait.ge [sflag:s4], $0x1000  }
0x12: {  	s10 =	sadd.s32 $0xFFFFFFFF, s31;
	[sflag:s4] =	ssyncset.done $0x0  }
.LBB2_1:
0x13: {  	p0 =	sne.s32 s10, $0x1;
	s10 =	sadd.s32 $0xFFFFFFFF, s10;
	[sflag:s4] =	ssyncadd.s32 $0xFFFFF000  }
0x14: {  	[tilespmem:s3], [sflag:$0x2] =	stream.linear.gather [hbm4b:s5+s3], $0x20, $0x38;
	[tilespmem:$0x1080] =	vst v63  }
0x15: {  	_ =	swait.ge [sflag:s4], $0x20  }
0x16: {  	[sflag:s4] =	ssyncset.done $0x0  }
0x17: {  	[sflag:s4] =	ssyncadd.s32 $0xFFFFFFE0  }
0x18: {  	[tilespmem:s7], [sflag:$0x1] =	stream.indirect.gather [hbm4b:s1+s6], $0x80, s3, s6, $0xb8;
	[tilespmem:$0x1080] =	vst v63  }
0x19: {  	_ =	swait.ge [sflag:s8], $0x1000  }
.Ltmp1:
0x1a: {  	[sflag:s8] =	ssyncset.done $0x0;
	(pc) =	sbr.rel @p0 .LBB2_1-.Ltmp1, $4  }
0x1b: {  	[sflag:s8] =	ssyncadd.s32 $0xFFFFF000  }
0x1c: {  	[hbm4b:s9+s3] =	stream.linear.scatter [tilespmem:s7], [sflag:$0x2], $0x1000, $0x38;
	[tilespmem:$0x1080] =	vst v63  }
0x1d: {  	_ =	swait.ge [sflag:s4], $0x1000  }
0x1e: {  	[sflag:s4] =	ssyncset.done $0x0  }
.LBB2_2:
0x1f: {  	[sflag:s4] =	ssyncadd.s32 $0xFFFFF000  }
0x20: {  	_ =	sfence.sel $0x180000  }
0x21: {  	[bflag:$0x0] =	sbarrier.arrive $0xFFFF  }
0x22: {  	p0 =	sne.s32 s0, $0x0;
	_ =	strace $0x90000047  }
0x23: {  	s0 =	sadd.s32 @!p0 $0x100000, s2;
	[bflag:$0x2] =	sbarrier.arrive $0xFFFF  }
0x24: {  	[sflag:s0] =	ssyncadd.tile.s32 @!p0 $0x1;
	_ =	shalt  }
.Lfunc_end2:
_tile_overlayer_lowered:
.L_overlay_start_2:
0x25: {  	(tag) =	ssettag $0x2  }
0x26: {  	s0 =	rddreg [dreg:$0x0];
	s2 =	stileid.u32  }
0x27: {  	s1 =	rddreg [dreg:$0x1];
	p0 =	sne.s32 s2, $0x0  }
0x28: {  	s3 =	rddreg [dreg:$0x2];
	[bflag:$0x3] =	sbarrier.arrive $0xFFFF;
	s2 =	simm.s32 @!p0 $0x1C02  }
0x29: {  	[timem:s3], [sflag:s2] =	dma.local @!p0 [hbm:s0], s1  }
0x2a: {  	s0 =	simm.s32 @!p0 $0x2  }
0x2b: {  	_ =	swait.ge @!p0 [sflag:s0], s1  }
0x2c: {  	s1 =	ssub.s32 @!p0 $0x0, s1;
	[sflag:s0] =	ssyncset.done @!p0 $0x0  }
0x2d: {  	[sflag:s0] =	ssyncadd.s32 @!p0 s1  }
0x2e: {  	[bflag:$0x3] =	sbarrier.arrive $0xFFFF  }
0x2f: {  	_ =	shalt  }

</sc_bundles>
